<compile_context>
chip_gen: v7x
topology: tpu7x:2x2x1
jax: 0.10.2.dev20260603
libtpu: 0.0.44.dev20260713+nightly
codegen_flags: <defaults>
</compile_context>

<pallas_src>
import functools

import jax
import jax.numpy as jnp
from jax import lax
from jax.experimental import pallas as pl
from jax.experimental.pallas import tpu as pltpu
from jax.experimental.pallas import tpu_sc as plsc

_B, _D, _T = 16, 64, 576
_K = 1024

_IDX_CHUNK = 96
_N_CHUNKS = _T // _IDX_CHUNK
_DH = _D // 2
_LANES = 16
_TCHUNKS = _T // _LANES


def _encode_body(z_ref, cb_ref, idx_ref):
    zb = jnp.transpose(z_ref[0], (1, 0))
    cb = cb_ref[...]
    m2 = jax.lax.dot_general(zb, cb, (((1,), (1,)), ((), ())))
    zz = jnp.sum(zb * zb, axis=1, keepdims=True)
    cc = jnp.sum(cb * cb, axis=1)
    dists = (zz - 2.0 * m2) + cc[None, :]
    idx_ref[0, 0] = jnp.argmin(dists, axis=1).astype(jnp.int32)


def _encode(z, codebook):
    return pl.pallas_call(
        _encode_body,
        grid=(_B,),
        in_specs=[
            pl.BlockSpec((1, _D, _T), lambda b: (b, 0, 0)),
            pl.BlockSpec((_K, _D), lambda b: (0, 0)),
        ],
        out_specs=pl.BlockSpec((1, 1, _T), lambda b: (b, 0, 0)),
        out_shape=jax.ShapeDtypeStruct((_B, 1, _T), jnp.int32),
    )(z, codebook)


@functools.partial(
    pl.kernel,
    mesh=plsc.VectorSubcoreMesh(core_axis_name="c", subcore_axis_name="s"),
    out_type=jax.ShapeDtypeStruct((_B, _D, _T), jnp.float32),
    compiler_params=pltpu.CompilerParams(needs_layout_passes=False),
    scratch_types=[
        pltpu.VMEM((_T,), jnp.int32),
        pltpu.VMEM((_T,), jnp.int32),
        pltpu.VMEM((_T, 2 * _D), jnp.float32),
        pltpu.VMEM((_DH, _T), jnp.float32),
        pltpu.SemaphoreType.DMA,
    ],
)
def _sc_decode(cb2_hbm, idx_hbm, out_hbm, idx_v, gidx_v, rows_v, out_v, sem):
    nc = 2
    wid = lax.axis_index("s") * nc + lax.axis_index("c")
    b = wid // 2
    dh = wid % 2
    dbase = dh * _DH

    pltpu.sync_copy(idx_hbm.at[b], idx_v)

    @plsc.parallel_loop(0, _TCHUNKS, unroll=4)
    def gchunk(i):
        idx16 = idx_v[pl.ds(i * _LANES, _LANES)]
        gidx_v[pl.ds(i * _LANES, _LANES)] = lax.shift_right_logical(idx16, 1)


    lane = lax.iota(jnp.int32, _LANES)


    pltpu.sync_copy(out_v, out_hbm.at[b, pl.ds(dbase, _DH)])


def kernel(z, codebook):
    idx = _encode(z, codebook).reshape(_B, _T)
    cb2 = codebook.reshape(_K // 2, 2 * _D)
    return _sc_decode(cb2, idx)

# --- scband reference (transcript-rebuilt; emitter-appended) ---
"""Pipeline reference for scband-vector-quantizer-ema-73486890434654 (READ-ONLY COPY).

The authoritative reference and input builder live on the scoring server;
editing this copy changes nothing except your own understanding.
"""

import jax, jax.numpy as jnp
import numpy as np

B, D, T = 16, 64, 576
K = 1024


def setup_inputs(seed: int = 0) -> dict:
    key = jax.random.key(seed)
    k1, k2 = jax.random.split(key)
    z = jax.random.normal(k1, (B, D, T), dtype=jnp.float32)
    # kaiming_uniform_ on (K, D): fan_in = D, gain = sqrt(2), bound = gain*sqrt(3/fan_in) = sqrt(6/D)
    bound = float(np.sqrt(6.0 / D))
    codebook = jax.random.uniform(k2, (K, D), minval=-bound, maxval=bound, dtype=jnp.float32)
    return {"z": z, "codebook": codebook}


def reference(z, codebook):
    # VectorQuantizerEMA.forward: encode (nearest-neighbor under no_grad) then decode (embedding lookup)
    b, d, t = z.shape
    flat_z = jnp.transpose(z, (0, 2, 1)).reshape(b * t, d)  # [B*T, D]
    # squared L2 distances to every codebook entry
    dists = (
        jnp.sum(flat_z * flat_z, axis=1, keepdims=True)
        - 2.0 * flat_z @ codebook.T
        + jnp.sum(codebook * codebook, axis=1)[None, :]
    )  # [B*T, K]
    indices = jnp.argmin(dists, axis=1).reshape(b, t)  # [B, T] int
    quantized = jnp.take(codebook, indices, axis=0)  # [B, T, D] gather
    return jnp.transpose(quantized, (0, 2, 1))  # [B, D, T]

if __name__ == "__main__":
    import jax
    _d = setup_inputs()
    print(jax.jit(kernel)(*tuple(_d.values())))

</pallas_src>

<mosaic_0001>
#map = affine_map<(d0, d1) -> (0, 0)>
#map1 = affine_map<(d0, d1) -> (0, 0, 0)>
module attributes {stable_mosaic.version = 14 : i64} {
  func.func @_sc_decode(%arg0: i32, %arg1: i32, %arg2: memref<512x128xf32, #tpu.memory_space<hbm>>, %arg3: memref<16x576xi32, #tpu.memory_space<hbm>>, %arg4: memref<16x64x576xf32, #tpu.memory_space<hbm>>, %arg5: memref<576xi32, #tpu.memory_space<vmem>>, %arg6: memref<576xi32, #tpu.memory_space<vmem>>, %arg7: memref<576x128xf32, #tpu.memory_space<vmem>>, %arg8: memref<32x576xf32, #tpu.memory_space<vmem>>, %arg9: memref<!tpu.dma_semaphore, #tpu.memory_space<semaphore_mem>>) attributes {dimension_semantics = [#tpu.dimension_semantics<core_parallel>, #tpu.dimension_semantics<subcore_parallel>], iteration_bounds = array<i64: 2, 16>, scalar_prefetch = 0 : i64, scratch_operands = 5 : i64, tpu.core_type = #tpu.core_type<sc_vector_subcore>, window_params = [{transform_indices = #map}, {transform_indices = #map}, {transform_indices = #map1}]} {
    %mul3A = arith.constant 2 : i32
    %mul3A_0 = arith.muli %arg1, %mul3A : i32
    %add3A = arith.addi %mul3A_0, %arg0 : i32
    %jit3A = arith.constant 2 : i32
    %div3A = arith.divsi %add3A, %jit3A : i32
    %sign3A = arith.constant 0 : i32
    %sign3A_1 = arith.cmpi sgt, %add3A, %sign3A : i32
    %sign3A_2 = arith.extui %sign3A_1 : i1 to i32
    %sign3A_3 = arith.constant 0 : i32
    %sign3A_4 = arith.cmpi slt, %add3A, %sign3A_3 : i32
    %sign3A_5 = arith.extui %sign3A_4 : i1 to i32
    %sign3A_6 = arith.subi %sign3A_2, %sign3A_5 : i32
    %sign3A_7 = arith.constant 0 : i32
    %sign3A_8 = arith.cmpi sgt, %jit3A, %sign3A_7 : i32
    %sign3A_9 = arith.extui %sign3A_8 : i1 to i32
    %sign3A_10 = arith.constant 0 : i32
    %sign3A_11 = arith.cmpi slt, %jit3A, %sign3A_10 : i32
    %sign3A_12 = arith.extui %sign3A_11 : i1 to i32
    %sign3A_13 = arith.subi %sign3A_9, %sign3A_12 : i32
    %ne3A = arith.cmpi ne, %sign3A_6, %sign3A_13 : i32
    %rem3A = arith.remsi %add3A, %jit3A : i32
    %ne3A_14 = arith.constant 0 : i32
    %ne3A_15 = arith.cmpi ne, %rem3A, %ne3A_14 : i32
    %and3A = arith.andi %ne3A, %ne3A_15 : i1
    %sub3A = arith.constant 1 : i32
    %sub3A_16 = arith.subi %div3A, %sub3A : i32
    %select_n3A = arith.select %and3A, %sub3A_16, %div3A : i32
    %jit3A_17 = arith.constant 2 : i32
    %eq3A = arith.constant 0 : i32
    %eq3A_18 = arith.cmpi eq, %jit3A_17, %eq3A : i32
    %jit3A_19 = arith.constant 1 : i32
    %select_n3A_20 = arith.select %eq3A_18, %jit3A_19, %jit3A_17 : i32
    %rem3A_21 = arith.remsi %add3A, %select_n3A_20 : i32
    %ne3A_22 = arith.constant 0 : i32
    %ne3A_23 = arith.cmpi ne, %rem3A_21, %ne3A_22 : i32
    %lt3A = arith.constant 0 : i32
    %lt3A_24 = arith.cmpi slt, %rem3A_21, %lt3A : i32
    %lt3A_25 = arith.constant 0 : i32
    %lt3A_26 = arith.cmpi slt, %select_n3A_20, %lt3A_25 : i32
    %ne3A_27 = arith.xori %lt3A_24, %lt3A_26 : i1
    %and3A_28 = arith.andi %ne3A_27, %ne3A_23 : i1
    %add3A_29 = arith.addi %rem3A_21, %select_n3A_20 : i32
    %select_n3A_30 = arith.select %and3A_28, %add3A_29, %rem3A_21 : i32
    %mul3A_31 = arith.constant 32 : i32
    %mul3A_32 = arith.muli %select_n3A_30, %mul3A_31 : i32
    "tpu.region"() ({
      %run_scoped3A = tpu.sem_alloc : memref<!tpu.dma_semaphore, #tpu.memory_space<semaphore_mem>>
      %dma_start3A = arith.constant 0 : i32
      %dma_start3A_35 = tpu.memref_slice %arg3[%select_n3A, %dma_start3A] : memref<16x576xi32, #tpu.memory_space<hbm>> -> memref<1x576xi32, #tpu.memory_space<hbm>>
      %dma_start3A_36 = tpu.memref_squeeze %dma_start3A_35 : memref<1x576xi32, #tpu.memory_space<hbm>> -> memref<576xi32, #tpu.memory_space<hbm>>
      %dma_start3A_37 = arith.constant 0 : i32
      %dma_start3A_38 = tpu.memref_slice %arg3[%select_n3A, %dma_start3A_37] : memref<16x576xi32, #tpu.memory_space<hbm>> -> memref<1x576xi32, #tpu.memory_space<hbm>>
      %dma_start3A_39 = tpu.memref_squeeze %dma_start3A_38 : memref<1x576xi32, #tpu.memory_space<hbm>> -> memref<576xi32, #tpu.memory_space<hbm>>
      tpu.enqueue_dma source(%dma_start3A_39 : memref<576xi32, #tpu.memory_space<hbm>>) target(%arg5 : memref<576xi32, #tpu.memory_space<vmem>>) target_semaphore(%run_scoped3A : memref<!tpu.dma_semaphore, #tpu.memory_space<semaphore_mem>>)
      %dma_wait3A = arith.constant 0 : i32
      %dma_wait3A_40 = tpu.memref_slice %arg3[%select_n3A, %dma_wait3A] : memref<16x576xi32, #tpu.memory_space<hbm>> -> memref<1x576xi32, #tpu.memory_space<hbm>>
      %dma_wait3A_41 = tpu.memref_squeeze %dma_wait3A_40 : memref<1x576xi32, #tpu.memory_space<hbm>> -> memref<576xi32, #tpu.memory_space<hbm>>
      %dma_wait3A_42 = arith.constant 0 : i32
      %dma_wait3A_43 = tpu.memref_slice %arg3[%select_n3A, %dma_wait3A_42] : memref<16x576xi32, #tpu.memory_space<hbm>> -> memref<1x576xi32, #tpu.memory_space<hbm>>
      %dma_wait3A_44 = tpu.memref_squeeze %dma_wait3A_43 : memref<1x576xi32, #tpu.memory_space<hbm>> -> memref<576xi32, #tpu.memory_space<hbm>>
      tpu.wait_dma2 semaphore(%run_scoped3A : memref<!tpu.dma_semaphore, #tpu.memory_space<semaphore_mem>>) src(%dma_wait3A_44 : memref<576xi32, #tpu.memory_space<hbm>>) dst(%arg5 : memref<576xi32, #tpu.memory_space<vmem>>)
      tpu.yield
    }) : () -> ()
    %parallel_loop3A = arith.constant 0 : i32
    %parallel_loop3A_33 = arith.constant 36 : i32
    %parallel_loop3A_34 = arith.constant 1 : i32
    scf.for %parallel_loop3A_35 = %parallel_loop3A to %parallel_loop3A_33 step %parallel_loop3A_34  : i32 {
      %parallel_loop3A_36 = arith.constant 16 : i32
      %parallel_loop3A_37 = arith.muli %parallel_loop3A_35, %parallel_loop3A_36 : i32
      %parallel_loop3A_38 = arith.index_cast %parallel_loop3A_37 : i32 to index
      %parallel_loop3A_39 = tpu.vector_load %arg5[%parallel_loop3A_38] {strides = array<i32>} : memref<576xi32, #tpu.memory_space<vmem>>, vector<16xi32>,
      %parallel_loop3A_40 = arith.constant 1 : i32
      %parallel_loop3A_41 = vector.broadcast %parallel_loop3A_40 : i32 to vector<16xi32>
      %parallel_loop3A_42 = arith.shrui %parallel_loop3A_39, %parallel_loop3A_41 : vector<16xi32>
      %parallel_loop3A_43 = arith.constant 16 : i32
      %parallel_loop3A_44 = arith.muli %parallel_loop3A_35, %parallel_loop3A_43 : i32
      %parallel_loop3A_45 = arith.index_cast %parallel_loop3A_44 : i32 to index
      %parallel_loop3A_46 = tpu.vector_load %arg6[%parallel_loop3A_45] {strides = array<i32>} : memref<576xi32, #tpu.memory_space<vmem>>, vector<16xi32>,
      tpu.vector_store %arg6[%parallel_loop3A_45], %parallel_loop3A_42 {strides = array<i32>} : memref<576xi32, #tpu.memory_space<vmem>>, vector<16xi32>,
    } {sc.loop_unroll_factor = 4 : i64, sc.parallel_access}
    %iota3A = tpu.iota {dimensions = array<i32: 0>} : vector<16xi32>
    "tpu.region"() ({
      %run_scoped3A = tpu.sem_alloc : memref<!tpu.dma_semaphore, #tpu.memory_space<semaphore_mem>>
      %dma_start3A = arith.constant 0 : i32
      %dma_start3A_35 = tpu.memref_slice %arg4[%select_n3A, %mul3A_32, %dma_start3A] : memref<16x64x576xf32, #tpu.memory_space<hbm>> -> memref<1x32x576xf32, #tpu.memory_space<hbm>>
      %dma_start3A_36 = tpu.memref_squeeze %dma_start3A_35 : memref<1x32x576xf32, #tpu.memory_space<hbm>> -> memref<32x576xf32, #tpu.memory_space<hbm>>
      %dma_start3A_37 = arith.constant 0 : i32
      %dma_start3A_38 = tpu.memref_slice %arg4[%select_n3A, %mul3A_32, %dma_start3A_37] : memref<16x64x576xf32, #tpu.memory_space<hbm>> -> memref<1x32x576xf32, #tpu.memory_space<hbm>>
      %dma_start3A_39 = tpu.memref_squeeze %dma_start3A_38 : memref<1x32x576xf32, #tpu.memory_space<hbm>> -> memref<32x576xf32, #tpu.memory_space<hbm>>
      tpu.enqueue_dma source(%arg8 : memref<32x576xf32, #tpu.memory_space<vmem>>) target(%dma_start3A_39 : memref<32x576xf32, #tpu.memory_space<hbm>>) target_semaphore(%run_scoped3A : memref<!tpu.dma_semaphore, #tpu.memory_space<semaphore_mem>>)
      %dma_wait3A = arith.constant 0 : i32
      %dma_wait3A_40 = tpu.memref_slice %arg4[%select_n3A, %mul3A_32, %dma_wait3A] : memref<16x64x576xf32, #tpu.memory_space<hbm>> -> memref<1x32x576xf32, #tpu.memory_space<hbm>>
      %dma_wait3A_41 = tpu.memref_squeeze %dma_wait3A_40 : memref<1x32x576xf32, #tpu.memory_space<hbm>> -> memref<32x576xf32, #tpu.memory_space<hbm>>
      %dma_wait3A_42 = arith.constant 0 : i32
      %dma_wait3A_43 = tpu.memref_slice %arg4[%select_n3A, %mul3A_32, %dma_wait3A_42] : memref<16x64x576xf32, #tpu.memory_space<hbm>> -> memref<1x32x576xf32, #tpu.memory_space<hbm>>
      %dma_wait3A_44 = tpu.memref_squeeze %dma_wait3A_43 : memref<1x32x576xf32, #tpu.memory_space<hbm>> -> memref<32x576xf32, #tpu.memory_space<hbm>>
      tpu.wait_dma2 semaphore(%run_scoped3A : memref<!tpu.dma_semaphore, #tpu.memory_space<semaphore_mem>>) src(%arg8 : memref<32x576xf32, #tpu.memory_space<vmem>>) dst(%dma_wait3A_44 : memref<32x576xf32, #tpu.memory_space<hbm>>)
      tpu.yield
    }) : () -> ()
    return
  }
}

module attributes {stable_mosaic.version = 14 : i64} {
  func.func @_encode_body(%arg0: i32, %arg1: memref<1x64x576xf32, #tpu.memory_space<vmem>>, %arg2: memref<1024x64xf32, #tpu.memory_space<vmem>>, %arg3: memref<1x1x576xi32, #tpu.memory_space<vmem>>) attributes {dimension_semantics = [#tpu.dimension_semantics<arbitrary>], iteration_bounds = array<i64: 16>, scalar_prefetch = 0 : i64, scratch_operands = 0 : i64, tpu.core_type = #tpu.core_type<tc>, window_params = [{transform_indices = @transform_0, window_bounds = array<i64: 1, 64, 576>}, {pipeline_mode = #tpu.pipeline_mode<synchronous>, transform_indices = @transform_1, window_bounds = array<i64: 1024, 64>}, {transform_indices = @transform_2, window_bounds = array<i64: 1, 1, 576>}]} {
    %get3A = arith.constant 0 : index
    %get3A_0 = arith.constant 0 : index
    %get3A_1 = arith.constant 0 : index
    %get3A_2 = vector.load %arg1[%get3A, %get3A_0, %get3A_1] : memref<1x64x576xf32, #tpu.memory_space<vmem>>, vector<1x64x576xf32>
    %get3A_3 = vector.shape_cast %get3A_2 : vector<1x64x576xf32> to vector<64x576xf32>
    %transpose3A = tpu.transpose %get3A_3, [1, 0] : vector<64x576xf32> -> vector<576x64xf32>
    %get3A_4 = arith.constant 0 : index
    %get3A_5 = arith.constant 0 : index
    %get3A_6 = vector.load %arg2[%get3A_4, %get3A_5] : memref<1024x64xf32, #tpu.memory_space<vmem>>, vector<1024x64xf32>
    %dot_general3A = arith.constant dense<0.000000e+00> : vector<576x1024xf32>
    %dot_general3A_7 = tpu.matmul %transpose3A, %get3A_6, %dot_general3A {dimension_numbers = #tpu.dot_dimension_numbers<[1], [1], [0], [0], [0, 0, 1, 0], [], []>, transpose_lhs_hint = false} : vector<576x64xf32>, vector<1024x64xf32>, vector<576x1024xf32> -> vector<576x1024xf32>
    %mul3A = arith.mulf %transpose3A, %transpose3A : vector<576x64xf32>
    %reduce_sum3A = arith.constant dense<0.000000e+00> : vector<576xf32>
    %reduce_sum3A_8 = vector.multi_reduction <add>, %mul3A, %reduce_sum3A [1] : vector<576x64xf32> to vector<576xf32>
    %broadcast_in_dim3A = vector.shape_cast %reduce_sum3A_8 : vector<576xf32> to vector<576x1xf32>
    %mul3A_9 = arith.mulf %get3A_6, %get3A_6 : vector<1024x64xf32>
    %reduce_sum3A_10 = arith.constant dense<0.000000e+00> : vector<1024xf32>
    %reduce_sum3A_11 = vector.multi_reduction <add>, %mul3A_9, %reduce_sum3A_10 [1] : vector<1024x64xf32> to vector<1024xf32>
    %mul3A_12 = arith.constant 2.000000e+00 : f32
    %mul3A_13 = vector.broadcast %mul3A_12 : f32 to vector<576x1024xf32>
    %mul3A_14 = arith.mulf %mul3A_13, %dot_general3A_7 : vector<576x1024xf32>
    %sub3A = vector.broadcast %broadcast_in_dim3A : vector<576x1xf32> to vector<576x1024xf32>
    %sub3A_15 = arith.subf %sub3A, %mul3A_14 : vector<576x1024xf32>
    %broadcast_in_dim3A_16 = vector.shape_cast %reduce_sum3A_11 : vector<1024xf32> to vector<1x1024xf32>
    %add3A = vector.broadcast %broadcast_in_dim3A_16 : vector<1x1024xf32> to vector<576x1024xf32>
    %add3A_17 = arith.addf %sub3A_15, %add3A : vector<576x1024xf32>
    %argmin3A = tpu.reduce_index %add3A_17 {axis = 1 : i32, kind = #tpu.reduction_kind<arg_min>} : vector<576x1024xf32> -> vector<576xi32>
    %swap3A = arith.constant 0 : index
    %swap3A_18 = arith.constant 0 : index
    %swap3A_19 = arith.constant 0 : index
    %swap3A_20 = vector.load %arg3[%swap3A, %swap3A_18, %swap3A_19] : memref<1x1x576xi32, #tpu.memory_space<vmem>>, vector<1x1x576xi32>
    %swap3A_21 = vector.shape_cast %swap3A_20 : vector<1x1x576xi32> to vector<576xi32>
    %swap3A_22 = vector.shape_cast %argmin3A : vector<576xi32> to vector<1x1x576xi32>
    tpu.vector_store %arg3[%swap3A, %swap3A_18, %swap3A_19], %swap3A_22 {strides = array<i32>} : memref<1x1x576xi32, #tpu.memory_space<vmem>>, vector<1x1x576xi32>,
    return
  }
  func.func @transform_0(%arg0: i32) -> (i32, i32, i32) {
    %c0_i32 = arith.constant 0 : i32
    %c0_i32_0 = arith.constant 0 : i32
    %c0_i32_1 = arith.constant 0 : i32
    return %arg0, %c0_i32, %c0_i32_0 : i32, i32, i32
  }
  func.func @transform_1(%arg0: i32) -> (i32, i32) {
    %c0_i32 = arith.constant 0 : i32
    %c0_i32_0 = arith.constant 0 : i32
    %c0_i32_1 = arith.constant 0 : i32
    return %c0_i32, %c0_i32_0 : i32, i32
  }
  func.func @transform_2(%arg0: i32) -> (i32, i32, i32) {
    %c0_i32 = arith.constant 0 : i32
    %c0_i32_0 = arith.constant 0 : i32
    %c0_i32_1 = arith.constant 0 : i32
    return %arg0, %c0_i32, %c0_i32_0 : i32, i32, i32
  }
}

</mosaic_0001>

<sc_bundles>
// kernel: kernel.4.cloned.1.call-start
scs
__scs_entry_jumppad:
0x0: {  	(pc) =	sbr.rel $0x88, $3  }
0x1: {  	(tag) =	ssettag $0x0;
	lr =	simm.s32 $0x1  }
0x2: {  	[smem:$0x3F9F] =	sst lr;
	_ =	strace $0xD0000000  }
0x3: {  	_ = 	snop  }
0x4: {  	_ = 	snop  }
0x5: {  	_ = 	snop  }
0x6: {  	_ = 	snop  }
0x7: {  	_ = 	snop  }
__scs_overlays_trampoline_lowered:
0x8: {  	[smem:$0x3FAE] =	sst s0  }
0x9: {  	[smem:$0x3FAF] =	sst s1  }
0xa: {  	[smem:$0x3FB0] =	sst s2  }
0xb: {  	[smem:$0x3FB1] =	sst s3  }
0xc: {  	[smem:$0x3FB2] =	sst s4  }
0xd: {  	[smem:$0x3FB3] =	sst s5  }
0xe: {  	[smem:$0x3FB4] =	sst s6  }
0xf: {  	[smem:$0x3FB5] =	sst s7  }
0x10: {  	[smem:$0x3FB6] =	sst s8  }
0x11: {  	[smem:$0x3FB7] =	sst s9;
	s0 =	simm.s32 @!p0 $0x0  }
0x12: {  	s1 =	sld [smem:$0x3F9D];
	s0 =	simm.s32 @p0 $0x1  }
0x13: {  	[smem:$0x3FB8] =	sst s0;
	s0 =	simm.s32 @!p1 $0x0  }
0x14: {  	s2 =	sld [smem:$0x3F9C];
	s0 =	simm.s32 @p1 $0x1  }
0x15: {  	[smem:$0x3FB9] =	sst s0;
	s0 =	simm.s32 @!p2 $0x0  }
0x16: {  	s3 =	sld [smem:$0x3FDB];
	s0 =	simm.s32 @p2 $0x1  }
0x17: {  	s4 =	simm.s32 $0x1BF5;
	[smem:$0x3FBB] =	sst s0  }
0x18: {  	s0 =	sld [smem:$0x3F9E];
	_ =	swait.ge [sflag:s4], $0x0  }
0x19: {  	s7 =	sld [smem:$0x3F9F]  }
0x1a: {  	s8 =	sadd.s32 $0xFFFFE003, lr  }
0x1b: {  	s9 =	sadd.s32 $0xFFFFFEF7, lr;
	s5 =	simm.s32 $0xFFFFFFFF;
	p2 =	slt.u32 s8, $0xFFFFF086  }
0x1c: {  	p1 =	slt.u32 s9, $0xF7A;
	s5 =	simm.s32 @!p2 $0x0  }
0x1d: {  	s5 =	simm.s32 @p1 $0x1;
	p0 =	seq.s32 s7, s2  }
0x1e: {  	s7 =	smul.u32 @!p0 $0xF7A, s2;
	p2 =	seq.s32 @!p0 s5, $0x0  }
0x1f: {  	s9 =	smul.u32 $0xF7A, s1;
	s8 =	simm.s32 @!p0 $0x1BF5;
	p2 =	por !p2, p0  }
0x20: {  	[sflag:s8] =	ssyncset.s32 @!p0 $0xFFFFF086;
	s6 =	sadd.s32 @!p0 s3, s7;
	s7 =	simm.s32 @!p0 $0x108  }
0x21: {  	s3 =	sadd.s32 s3, s9;
	s6 =	sadd.s32 @!p0 $0x88, s6;
	s7 =	simm.s32 @p2 $0x1082  }
0x22: {  	[simem:s7], [sflag:s8] =	dma.local @!p0 [hbm:s6], $0xF7A  }
0x23: {  	s9 =	sor.u32 $0xD0000000, s2;
	s6 =	simm.s32 $0x108;
	_ =	swait.ge @!p0 [sflag:s8], $0x0  }
0x24: {  	s3 =	sadd.s32 $0x88, s3;
	s6 =	simm.s32 @!p1 $0x1082;
	[sflag:s4] =	ssyncset.s32 $0xFFFFF086  }
0x25: {  	[simem:s6], [sflag:s4] =	dma.local [hbm:s3], $0xF7A  }
0x26: {  	[smem:$0x3F9F] =	sst s1;
	(tag) =	ssettag s2;
	_ =	strace s9  }
0x27: {  	s1 =	sld [smem:$0x3FAF]  }
0x28: {  	s2 =	sld [smem:$0x3FB0]  }
0x29: {  	s4 =	sld [smem:$0x3FB2]  }
0x2a: {  	p0 =	seq.s32 s5, $0x0;
	s5 =	sld [smem:$0x3FB3]  }
0x2b: {  	s6 =	sld [smem:$0x3FB4]  }
0x2c: {  	s7 =	sld [smem:$0x3FB5]  }
0x2d: {  	s3 =	simm.s32 $0x108;
	s8 =	sld [smem:$0x3FB6]  }
0x2e: {  	s3 =	simm.s32 @!p0 $0x1082;
	s9 =	sld [smem:$0x3FB7]  }
0x2f: {  	lr =	sadd.s32 s0, s3;
	s0 =	sld [smem:$0x3FAE]  }
0x30: {  	s3 =	sld [smem:$0x3FB1]  }
0x31: {  	[smem:$0x3FBA] =	sst s10  }
0x32: {  	s10 =	sld [smem:$0x3FB8];
	_ =	sdelay $0x3  }
0x33: {  	p0 =	seq.s32 s10, $0x1;
	s10 =	sld [smem:$0x3FBA];
	_ =	sdelay $0x3  }
0x34: {  	[smem:$0x3FBA] =	sst s10  }
0x35: {  	s10 =	sld [smem:$0x3FB9];
	_ =	sdelay $0x3  }
0x36: {  	p1 =	seq.s32 s10, $0x1;
	s10 =	sld [smem:$0x3FBA];
	_ =	sdelay $0x3  }
0x37: {  	[smem:$0x3FBA] =	sst s10  }
0x38: {  	s10 =	sld [smem:$0x3FBB]  }
0x39: {  	_ = 	snop;
	(pc) =	sbr.ind lr, $3  }
0x3a: {  	_ = 	snop  }
0x3b: {  	_ = 	snop  }
0x3c: {  	p2 =	seq.s32 s10, $0x1;
	s10 =	sld [smem:$0x3FBA]  }
0x3d: {  	_ =	shalt  }
0x3e: {  	_ =	shalt  }
0x3f: {  	_ =	shalt  }
0x40: {  	_ =	shalt  }
0x41: {  	_ =	shalt  }
0x42: {  	_ =	shalt  }
0x43: {  	_ =	shalt  }
0x44: {  	_ =	shalt  }
0x45: {  	_ =	shalt  }
0x46: {  	_ =	shalt  }
0x47: {  	_ =	shalt  }
0x48: {  	_ =	shalt  }
0x49: {  	_ =	shalt  }
0x4a: {  	_ =	shalt  }
0x4b: {  	_ =	shalt  }
0x4c: {  	_ =	shalt  }
0x4d: {  	_ =	shalt  }
0x4e: {  	_ =	shalt  }
0x4f: {  	_ =	shalt  }
0x50: {  	_ =	shalt  }
0x51: {  	_ =	shalt  }
0x52: {  	_ =	shalt  }
0x53: {  	_ =	shalt  }
0x54: {  	_ =	shalt  }
0x55: {  	_ =	shalt  }
0x56: {  	_ =	shalt  }
0x57: {  	_ =	shalt  }
0x58: {  	_ =	shalt  }
0x59: {  	_ =	shalt  }
0x5a: {  	_ =	shalt  }
0x5b: {  	_ =	shalt  }
0x5c: {  	_ =	shalt  }
0x5d: {  	_ =	shalt  }
0x5e: {  	_ =	shalt  }
0x5f: {  	_ =	shalt  }
0x60: {  	_ =	shalt  }
0x61: {  	_ =	shalt  }
0x62: {  	_ =	shalt  }
0x63: {  	_ =	shalt  }
0x64: {  	_ =	shalt  }
0x65: {  	_ =	shalt  }
0x66: {  	_ =	shalt  }
0x67: {  	_ =	shalt  }
0x68: {  	_ =	shalt  }
0x69: {  	_ =	shalt  }
0x6a: {  	_ =	shalt  }
0x6b: {  	_ =	shalt  }
0x6c: {  	_ =	shalt  }
0x6d: {  	_ =	shalt  }
0x6e: {  	_ =	shalt  }
0x6f: {  	_ =	shalt  }
0x70: {  	_ =	shalt  }
0x71: {  	_ =	shalt  }
0x72: {  	_ =	shalt  }
0x73: {  	_ =	shalt  }
0x74: {  	_ =	shalt  }
0x75: {  	_ =	shalt  }
0x76: {  	_ =	shalt  }
0x77: {  	_ =	shalt  }
0x78: {  	_ =	shalt  }
0x79: {  	_ =	shalt  }
0x7a: {  	_ =	shalt  }
0x7b: {  	_ =	shalt  }
0x7c: {  	_ =	shalt  }
0x7d: {  	_ =	shalt  }
0x7e: {  	_ =	shalt  }
0x7f: {  	_ =	shalt  }
0x80: {  	_ =	shalt  }
0x81: {  	_ =	shalt  }
0x82: {  	_ =	shalt  }
0x83: {  	_ =	shalt  }
0x84: {  	_ =	shalt  }
0x85: {  	_ =	shalt  }
0x86: {  	_ =	shalt  }
0x87: {  	_ =	shalt  }
.Lfunc_end0:
.L_simem_size_0:
called_computation_lowered:
.L_overlay_start_0:
0x88: {  	s2 =	sld [smem:$0x3FD9]  }
0x89: {  	s3 =	sld [smem:$0x3FFE];
	_ =	sdelay $0x1  }
0x8a: {  	s1 =	srdreg.scid  }
0x8b: {  	s0 =	sand.u32 $0x1, s1  }
0x8c: {  	s17 =	sshll.u32 s0, $0xA;
	s2 =	sadd.s32 s3, s2  }
0x8d: {  	s2 =	sadd.s32 s2, s17  }
0x8e: {  	[smem:$0x3FC6] =	sst s2  }
0x8f: {  	_ = 	snop  }
0x90: {  	s2 =	sld [smem:$0x3FD0];
	(tm) =	ssettm $0x1  }
0x91: {  	s18 =	sld [smem:$0x3FFB];
	_ =	sdelay $0x3  }
0x92: {  	_ =	strace s18  }
0x93: {  	s3 =	sld [smem:$0x3FFC];
	_ =	sdelay $0x3  }
0x94: {  	_ =	strace s3  }
0x95: {  	s3 =	sld [smem:$0x3FFD];
	_ =	sdelay $0x3  }
0x96: {  	_ =	strace s3  }
0x97: {  	_ =	strace $0x8FFFFFFF  }
0x98: {  	s19 =	sld [smem:$0x3FDB];
	_ =	sdelay $0x1  }
0x99: {  	s4 =	simm.s32 $_scs_section_size  }
0x9a: {  	s5 =	simm.s32 $_size__tile_overlayer_lowered;
	s6 =	simm.s32 $_tile_overlayer_lowered  }
0x9b: {  	s22 =	simm.s32 $0x1BFF;
	s21 =	sshll.u32 s6, $0x1;
	s3 =	sadd.s32 s4, s19  }
0x9c: {  	s7 =	simm.s32 $0x0;
	s20 =	sshll.u32 s5, $0x1;
	s5 =	sadd.s32 s21, s3  }
0x9d: {  	[timem:s7], [sflag:s22] =	dma.local [hbm:s5], s20  }
0x9e: {  	_ =	swait.ge [sflag:s22], s20  }
0x9f: {  	s4 =	ssub.s32 $0x0, s20;
	[sflag:s22] =	ssyncset.done $0x0  }
0xa0: {  	[sflag:s22] =	ssyncadd.s32 s4;
	_ =	sdelay $0x1  }
0xa1: {  	s23 =	simm.s32 $0x1B8B  }
0xa2: {  	_ =	swait.ge [sflag:s23], $0x1  }
0xa3: {  	[sflag:s23] =	ssyncset.done $0x0  }
0xa4: {  	s25 =	simm.s32 $0x1B8E;
	s24 =	sld [smem:$0x3FFE];
	[sflag:s23] =	ssyncadd.s32 $0xFFFFFFFF  }
0xa5: {  	s26 =	simm.s32 $execute0_lowered;
	[smem:$0x3FD2] =	sst s25  }
0xa6: {  	s5 =	sshll.u32 s26, $0x1;
	_ =	strace $0x80000046;
	[dreg:$0x1] =	wrdreg $0xFFFFFFFF  }
0xa7: {  	s28 =	simm.s32 $_size_execute0_lowered;
	s3 =	sadd.s32 s3, s5;
	[dreg:$0x0] =	wrdreg $0x0  }
0xa8: {  	s5 =	sshll.u32 s28, $0x1;
	[dreg:$0x2] =	wrdreg s3  }
0xa9: {  	[dreg:$0x3] =	wrdreg s5  }
0xaa: {  	[dreg:$0x4] =	wrdreg $0xC0  }
0xab: {  	_ =	task [dreg:s7], $0x5FFFF  }
0xac: {  	[dreg:$0x1] =	wrdreg $0xFFFFFFFF  }
0xad: {  	[dreg:$0x0] =	wrdreg $0x60  }
0xae: {  	[dreg:$0x2] =	wrdreg s24  }
0xaf: {  	[dreg:$0x3] =	wrdreg s2  }
0xb0: {  	[dreg:$0x4] =	wrdreg $0x9  }
0xb1: {  	_ =	task.clear_ibuf [dreg:s7], $0x5FFFF;
	_ =	strace $0x90000046  }
0xb2: {  	s29 =	simm.s32 $0x9;
	_ =	strace $0x80000048  }
0xb3: {  	_ =	swait.ge [sflag:s29], $0x1  }
0xb4: {  	[sflag:s29] =	ssyncadd.s32 $0xFFFFFFFF  }
0xb5: {  	_ =	strace $0x90000048  }
0xb6: {  	_ =	sfence  }
0xb7: {  	s30 =	sld [smem:$0x0];
	_ =	sdelay $0x2  }
0xb8: {  	s31 =	sshll.u32 s1, $0xD;
	s1 =	sshrl.u32 s1, $0x2  }
0xb9: {  	s3 =	sand.u32 $0x4000, s31;
	s1 =	sadd.s32 s1, s30  }
0xba: {  	s0 =	sor.u32 s3, s0;
	s1 =	sshll.u32 s1, $0x11  }
0xbb: {  	s0 =	sor.u32 s1, s0  }
0xbc: {  	s0 =	sadd.s32 $0x8F2B, s0  }
0xbd: {  	[sflag:s0] =	ssyncadd.remote.s32 $0x1  }
0xbe: {  	_ =	sfence.sel $0xFFFF  }
0xbf: {  	[dreg:$0x0] =	wrdreg $0xFFFFFFFF;
	(pc) =	sbr.abs _section_cstart, $3  }
0xc0: {  	[dreg:$0x1] =	wrdreg $0xFFFFFFFF  }
0xc1: {  	_ =	task.clear_ibuf [dreg:s7], $0x2FFFF;
	_ =	strace $0x9FFFFFFF  }
0xc2: {  	(tm) =	ssettm $0x7FFFFFFF  }
0xc3: {  	_ =	shalt  }
tec
execute0_lowered:
.L_overlay_start_1:
0x0: {  	(tag) =	ssettag $0x1  }
0x1: {  	s1 =	srdreg.scid  }
0x2: {  	s0 =	stileid.u32;
	s4 =	sand.u32 $0x1, s1  }
0x3: {  	s1 =	sor.u32 s4, s0  }
0x4: {  	p1 =	seq.s32 s4, $0x1;
	p0 =	seq.s32 s1, $0x0  }
0x5: {  	p0 =	por !p0, !p1  }
0x6: {  	s5 =	rddreg [dreg:$0x0];
	s1 =	simm.s32 $0x1;
	p0 =	por !p0, !p0  }
0x7: {  	s6 =	rddreg [dreg:$0x1];
	s1 =	simm.s32 @!p0 $0x0  }
0x8: {  	s2 =	simm.s32 $0x0;
	s10 =	simm.s32 $0x0;
	s3 =	ssub.s32 s0, s1  }
0x9: {  	[smem:$0x7FF] =	sst s2;
	s29 =	smul.u32 $0x5000, s4;
	s7 =	sshrl.u32 s3, $0x3  }
0xa: {  	s4 =	ssub.s32 $0x2, s4;
	s8 =	sshll.u32 s3, $0x7;
	s7 =	smul.u32 $0x1400, s7  }
0xb: {  	s30 =	sshrl.u32 s4, $0x1;
	s9 =	smul.u32 $0xA000, s3;
	s8 =	sand.u32 $0x380, s8  }
0xc: {  	s1 =	rddreg [dreg:$0x2];
	_ =	strace $0x80000047;
	s7 =	sor.u32 s8, s7  }
0xd: {  	s3 =	simm.s32 $0x1;
	s8 =	sadd.s32 s29, s9;
	s7 =	sshrl.u32 s7, $0x3  }
0xe: {  	s9 =	simm.s32 $0x500;
	s31 =	sshrl.u32 s8, $0x3;
	s5 =	sadd.s32 s7, s5  }
0xf: {  	s8 =	simm.s32 $0x400;
	s7 =	ssub.s32 s4, s30;
	s4 =	sadd.s32 $0x2600, s5  }
0x10: {  	s5 =	sadd.s32 s6, s31;
	s6 =	smax.u32 s7, $0x1;
	s7 =	simm.s32 $0x80  }
.LBB2_1:
0x11: {  	[tilespmem:s2], [sflag:$0x1] =	stream.strided.gather [hbm4b:s4+s7], $0x280, s8, s7, $0x38;
	[tilespmem:$0x5500] =	vst v63  }
0x12: {  	_ =	swait.ge [sflag:s3], $0x280  }
0x13: {  	[sflag:s3] =	ssyncset.done $0x0  }
0x14: {  	s11 =	simm.s32 $0x20;
	[sflag:s3] =	ssyncadd.s32 $0xFFFFFD80  }
0x15: {  	v0 =	vld [tilespmem:s11+$0xFFFFFFE0]  }
0x16: {  	v2 =	vld [tilespmem:s11+$0x0]  }
0x17: {  	v1 =	vld [tilespmem:s11+$0x10]  }
0x18: {  	v3 =	vld [tilespmem:s11+$0xFFFFFFF0];
	_ =	sdelay $0x1  }
0x19: {  	s12 =	simm.s32 $0x60;
	s11 =	simm.s32 $0x2A0;
	v4 =	vshrl.u32 v0, $0x1  }
0x1a: {  	v0 =	vld [tilespmem:s12+$0xFFFFFFE0];
	v5 =	vshrl.u32 v2, $0x1;
	[tilespmem:s11+$0xFFFFFFE0] =	vst v4  }
0x1b: {  	v2 =	vld [tilespmem:s12+$0x0];
	v4 =	vshrl.u32 v1, $0x1;
	[tilespmem:s11+$0x0] =	vst v5  }
0x1c: {  	s13 =	simm.s32 $0x4;
	v3 =	vshrl.u32 v3, $0x1;
	v1 =	vld [tilespmem:s12+$0x10];
	[tilespmem:s11+$0x10] =	vst v4  }
.LBB2_2:
0x1d: {  	s13 =	sadd.s32 $0x4, s13  }
0x1e: {  	v4 =	vld [tilespmem:s12+$0xFFFFFFF0];
	[tilespmem:s11+$0xFFFFFFF0] =	vst v3;
	s11 =	sadd.s32 $0x40, s11;
	p0 =	slt.u32 s13, $0x20  }
.Ltmp0:
0x1f: {  	(pc) =	sbr.rel @p0 .LBB2_2-.Ltmp0, $4  }
0x20: {  	s12 =	sadd.s32 $0x40, s12;
	v3 =	vshrl.u32 v0, $0x1  }
0x21: {  	v0 =	vld [tilespmem:s12+$0xFFFFFFE0];
	[tilespmem:s11+$0xFFFFFFE0] =	vst v3;
	v3 =	vshrl.u32 v1, $0x1  }
0x22: {  	v1 =	vld [tilespmem:s12+$0x10];
	v5 =	vshrl.u32 v2, $0x1;
	[tilespmem:s11+$0x10] =	vst v3  }
0x23: {  	v2 =	vld [tilespmem:s12+$0x0];
	v3 =	vshrl.u32 v4, $0x1;
	[tilespmem:s11+$0x0] =	vst v5  }
0x24: {  	v4 =	vld [tilespmem:s12+$0xFFFFFFF0];
	_ =	sdelay $0x1  }
0x25: {  	[tilespmem:s11+$0xFFFFFFF0] =	vst v3;
	s31 =	sadd.s32 $0x40, s11;
	v0 =	vshrl.u32 v0, $0x1  }
0x26: {  	[tilespmem:s31+$0xFFFFFFE0] =	vst v0;
	v61 =	vshrl.u32 v1, $0x1  }
0x27: {  	s10 =	sadd.s32 $0x1, s10;
	v62 =	vshrl.u32 v2, $0x1;
	[tilespmem:s31+$0x10] =	vst v61  }
0x28: {  	p0 =	sne.s32 s10, s6;
	v63 =	vshrl.u32 v4, $0x1;
	[tilespmem:s31+$0x0] =	vst v62  }
.Ltmp1:
0x29: {  	[tilespmem:s31+$0xFFFFFFF0] =	vst v63;
	(pc) =	sbr.rel @p0 .LBB2_1-.Ltmp1, $4  }
0x2a: {  	[hbm4b:s5+s2] =	stream.linear.scatter [tilespmem:s9], [sflag:$0x1], $0x5000, $0x38;
	[tilespmem:$0x5500] =	vst v63  }
0x2b: {  	_ =	swait.ge [sflag:s3], $0x5000  }
0x2c: {  	[sflag:s3] =	ssyncset.done $0x0  }
0x2d: {  	[sflag:s3] =	ssyncadd.s32 $0xFFFFB000  }
0x2e: {  	_ =	sfence.sel $0x180000  }
0x2f: {  	[bflag:$0x0] =	sbarrier.arrive $0xFFFF  }
0x30: {  	p0 =	sne.s32 s0, $0x0;
	_ =	strace $0x90000047  }
0x31: {  	s0 =	sadd.s32 @!p0 $0x100000, s1;
	[bflag:$0x2] =	sbarrier.arrive $0xFFFF  }
0x32: {  	[sflag:s0] =	ssyncadd.tile.s32 @!p0 $0x1;
	_ =	shalt  }
.Lfunc_end2:
_tile_overlayer_lowered:
.L_overlay_start_2:
0x33: {  	(tag) =	ssettag $0x2  }
0x34: {  	s0 =	rddreg [dreg:$0x0];
	s2 =	stileid.u32  }
0x35: {  	s1 =	rddreg [dreg:$0x1];
	p0 =	sne.s32 s2, $0x0  }
0x36: {  	s3 =	rddreg [dreg:$0x2];
	[bflag:$0x3] =	sbarrier.arrive $0xFFFF;
	s2 =	simm.s32 @!p0 $0x1C01  }
0x37: {  	[timem:s3], [sflag:s2] =	dma.local @!p0 [hbm:s0], s1  }
0x38: {  	s0 =	simm.s32 @!p0 $0x1  }
0x39: {  	_ =	swait.ge @!p0 [sflag:s0], s1  }
0x3a: {  	s1 =	ssub.s32 @!p0 $0x0, s1;
	[sflag:s0] =	ssyncset.done @!p0 $0x0  }
0x3b: {  	[sflag:s0] =	ssyncadd.s32 @!p0 s1  }
0x3c: {  	[bflag:$0x3] =	sbarrier.arrive $0xFFFF  }
0x3d: {  	_ =	shalt  }

</sc_bundles>
